<compile_context>
chip_gen: v7x
topology: tpu7x:2x2x1
jax: 0.10.2.dev20260603
libtpu: 0.0.44.dev20260713+nightly
codegen_flags: <defaults>
</compile_context>

<pallas_src>
import functools

import jax
import jax.numpy as jnp
from jax import lax
from jax.experimental import pallas as pl
from jax.experimental.pallas import tpu as pltpu
from jax.experimental.pallas import tpu_sc as plsc

NCB = 16
CB_DIM = 4
CB_SIZE = 1024
_INV_LN2 = 1.4426950408889634
_AUG_D = 16
_NW = 32


def _vq_kernel(lam_ref, xs_ref, cbTn_ref, logits_ref, gidx_ref):
    c = pl.program_id(0)

    xs = xs_ref[0]
    cbTn = cbTn_ref[0]
    lg = logits_ref[0]

    m = jnp.max(lg, axis=-1, keepdims=True)
    lse = jnp.log(jnp.sum(jnp.exp(lg - m), axis=-1, keepdims=True)) + m
    log2p = (lse - lg) * _INV_LN2
    rate_bias = log2p / lam_ref[0, 0]

    xn = jnp.sum(xs * xs, axis=0)[None, :]
    cbn = 0.25 * jnp.sum(cbTn * cbTn, axis=0)[None, :]

    cbnT = cbn.reshape(CB_SIZE, 1)
    rate_biasT = rate_bias.reshape(CB_SIZE, 1)

    prodT = jax.lax.dot_general(cbTn, xs, (((0,), (0,)), ((), ())),
                                preferred_element_type=jnp.float32)
    dist = rate_biasT + ((xn + cbnT) + prodT)

    idx = jnp.argmin(dist, axis=0).astype(jnp.int32)
    gidx_ref[0, 0] = idx + c * CB_SIZE


def _sc_gather(gidx_hbm, aug_hbm, rows_hbm, acc_hbm, idx_v, rows_v, accv, sem):
    rows_per_tile = idx_v.shape[0]
    wid = lax.axis_index("s") * 2 + lax.axis_index("c")
    base = wid * rows_per_tile
    pltpu.sync_copy(gidx_hbm.at[pl.ds(base, rows_per_tile)], idx_v)
    pltpu.async_copy(aug_hbm.at[idx_v], rows_v, sem).wait()
    pltpu.sync_copy(rows_v, rows_hbm.at[pl.ds(base, rows_per_tile)])

    def body(i, accs):
        b = i * 16
        return tuple(
            accs[k] + rows_v[b + k] + rows_v[b + 4 + k]
            + rows_v[b + 8 + k] + rows_v[b + 12 + k]
            for k in range(4)
        )
    z = jnp.zeros((_AUG_D,), jnp.float32)
    a0, a1, a2, a3 = lax.fori_loop(0, rows_per_tile // 16, body,
                                   (z, z, z, z))
    accv[...] = (a0 + a1) + (a2 + a3)
    pltpu.sync_copy(accv, acc_hbm.at[wid])


def kernel(x, codebook, logits, lmbda):
    shape = x.shape
    xf = x.reshape(-1, NCB, CB_DIM)
    n = xf.shape[0]
    nb = min(n, 4096)
    nblk = n // nb

    xs = xf.transpose(1, 2, 0)
    cbTn = codebook.transpose(0, 2, 1) * (-2.0)
    lg3 = logits.reshape(NCB, 1, CB_SIZE)
    lam = jnp.asarray(lmbda, jnp.float32).reshape(1, 1)
    log2p_col = jax.nn.log_softmax(logits, axis=-1) * (-_INV_LN2)
    aug = jnp.concatenate(
        [codebook, log2p_col[..., None],
         jnp.zeros((NCB, CB_SIZE, _AUG_D - CB_DIM - 1), jnp.float32)],
        axis=-1).reshape(NCB * CB_SIZE, _AUG_D)

    gidx = pl.pallas_call(
        _vq_kernel,
        grid=(NCB, nblk),
        in_specs=[
            pl.BlockSpec(memory_space=pltpu.SMEM),
            pl.BlockSpec((1, CB_DIM, nb), lambda c, b: (c, 0, b)),
            pl.BlockSpec((1, CB_DIM, CB_SIZE), lambda c, b: (c, 0, 0)),
            pl.BlockSpec((1, 1, CB_SIZE), lambda c, b: (c, 0, 0)),
        ],
        out_specs=pl.BlockSpec((1, 1, nb), lambda c, b: (c, 0, b)),
        out_shape=jax.ShapeDtypeStruct((NCB, 1, n), jnp.int32),
    )(lam, xs, cbTn, lg3)

    total = NCB * n
    rpt = total // _NW
    mesh = plsc.VectorSubcoreMesh(core_axis_name="c", subcore_axis_name="s")
    sc = functools.partial(
        pl.kernel, mesh=mesh,
        out_type=[
            jax.ShapeDtypeStruct((total, _AUG_D), jnp.float32),
            jax.ShapeDtypeStruct((_NW, _AUG_D), jnp.float32),
        ],
        scratch_types=[
            pltpu.VMEM((rpt,), jnp.int32),
            pltpu.VMEM((rpt, _AUG_D), jnp.float32),
            pltpu.VMEM((_AUG_D,), jnp.float32),
            pltpu.SemaphoreType.DMA,
        ],
        compiler_params=pltpu.CompilerParams(use_tc_tiling_on_sc=False),
    )(_sc_gather)
    rows, acc = sc(gidx.reshape(total), aug)

    x_hat = rows.reshape(NCB, n, _AUG_D)[:, :, :CB_DIM].transpose(1, 0, 2)
    rate_uem = jnp.sum(acc[:, CB_DIM])
    zero = jnp.zeros((1,), dtype=jnp.float32)
    return (x_hat.reshape(shape), rate_uem, jnp.zeros_like(rate_uem), zero, zero)

# --- scband reference (transcript-rebuilt; emitter-appended) ---
"""Pipeline reference for scband-ecvqlastdim-13322988552583 (READ-ONLY COPY).

The authoritative reference and input builder live on the scoring server;
editing this copy changes nothing except your own understanding.
"""

import jax, jax.numpy as jnp
import numpy as np
import math

NCB = 16
CB_DIM = 4
CB_SIZE = 1024
N = 4096


def setup_inputs(seed: int = 0) -> dict:
    key = jax.random.key(seed)
    k1, k2 = jax.random.split(key)
    x = jax.random.normal(k1, (N, NCB, CB_DIM), dtype=jnp.float32)
    # nn.Parameter(torch.Tensor(ncb, cb_size, cb_dim).normal_(0, 1/sqrt(cb_dim)))
    codebook = jax.random.normal(k2, (NCB, CB_SIZE, CB_DIM), dtype=jnp.float32) * (1.0 / math.sqrt(CB_DIM))
    # nn.Parameter(torch.zeros(ncb, cb_size))
    logits = jnp.zeros((NCB, CB_SIZE), dtype=jnp.float32)
    return {"x": x, "codebook": codebook, "logits": logits, "lmbda": 64}


def reference(x, codebook, logits, lmbda):
    # ECVQlastdim.forward with prior_param=None (unconditional entropy model path)
    shape = x.shape
    xf = x.reshape(-1, NCB, CB_DIM)
    # uncondi_entropy_model.log_pmf() == log_softmax(logits); convert to bits
    log2_pmf_u = jax.nn.log_softmax(logits, axis=-1) / (-math.log(2.0))
    param_bit = jnp.zeros((1,), dtype=jnp.float32)
    prior_dist = jnp.zeros((1,), dtype=jnp.float32)
    # rate_constrain=True -> rate_bias = log2_pmf / lmbda
    rate_bias = log2_pmf_u / lmbda
    # ConditionalVectorQuantization.l2_dist
    # dist = |x|^2 (n,ncb,1) + |cb|^2 (ncb,cb_size) - 2 * einsum('abc,dac->dab', cb, x)
    dist = (jnp.sum(xf ** 2, axis=-1, keepdims=True)
            + jnp.sum(codebook ** 2, axis=-1)
            - 2.0 * jnp.einsum('abc,dac->dab', codebook, xf))
    dist = rate_bias + dist
    idx = jnp.argmin(dist, axis=-1)
    one_hot = jax.nn.one_hot(idx, CB_SIZE, dtype=dist.dtype)  # scatter_ of 1.0 into zeros_like(dist)
    x_hat = jnp.einsum('abc,bcd->abd', one_hot, codebook)
    rate_uem = jnp.sum(one_hot * log2_pmf_u)
    rate_cem = jnp.zeros_like(rate_uem)
    return (x_hat.reshape(shape), rate_uem, rate_cem, prior_dist, param_bit)

if __name__ == "__main__":
    import jax
    _d = setup_inputs()
    print(jax.jit(kernel)(*tuple(_d.values())))

</pallas_src>

<mosaic_0001>
#map = affine_map<(d0, d1) -> (0)>
#map1 = affine_map<(d0, d1) -> (0, 0)>
module attributes {stable_mosaic.version = 14 : i64} {
  func.func @_sc_gather(%arg0: i32, %arg1: i32, %arg2: memref<65536xi32, #tpu.memory_space<hbm>>, %arg3: memref<16384x16xf32, #tpu.memory_space<hbm>>, %arg4: memref<65536x16xf32, #tpu.memory_space<hbm>>, %arg5: memref<32x16xf32, #tpu.memory_space<hbm>>, %arg6: memref<2048xi32, #tpu.memory_space<vmem>>, %arg7: memref<2048x16xf32, #tpu.memory_space<vmem>>, %arg8: memref<16xf32, #tpu.memory_space<vmem>>, %arg9: memref<!tpu.dma_semaphore, #tpu.memory_space<semaphore_mem>>) attributes {dimension_semantics = [#tpu.dimension_semantics<core_parallel>, #tpu.dimension_semantics<subcore_parallel>], iteration_bounds = array<i64: 2, 16>, scalar_prefetch = 0 : i64, scratch_operands = 4 : i64, tpu.core_type = #tpu.core_type<sc_vector_subcore>, window_params = [{transform_indices = #map}, {transform_indices = #map1}, {transform_indices = #map1}, {transform_indices = #map1}]} {
    %mul3A = arith.constant 2 : i32
    %mul3A_0 = arith.muli %arg1, %mul3A : i32
    %add3A = arith.addi %mul3A_0, %arg0 : i32
    %mul3A_1 = arith.constant 2048 : i32
    %mul3A_2 = arith.muli %add3A, %mul3A_1 : i32
    "tpu.region"() ({
      %run_scoped3A = tpu.sem_alloc : memref<!tpu.dma_semaphore, #tpu.memory_space<semaphore_mem>>
      %dma_start3A_19 = tpu.memref_slice %arg2[%mul3A_2] : memref<65536xi32, #tpu.memory_space<hbm>> -> memref<2048xi32, #tpu.memory_space<hbm>>
      %dma_start3A_20 = tpu.memref_slice %arg2[%mul3A_2] : memref<65536xi32, #tpu.memory_space<hbm>> -> memref<2048xi32, #tpu.memory_space<hbm>>
      tpu.enqueue_dma source(%dma_start3A_20 : memref<2048xi32, #tpu.memory_space<hbm>>) target(%arg6 : memref<2048xi32, #tpu.memory_space<vmem>>) target_semaphore(%run_scoped3A : memref<!tpu.dma_semaphore, #tpu.memory_space<semaphore_mem>>)
      %dma_wait3A_21 = tpu.memref_slice %arg2[%mul3A_2] : memref<65536xi32, #tpu.memory_space<hbm>> -> memref<2048xi32, #tpu.memory_space<hbm>>
      %dma_wait3A_22 = tpu.memref_slice %arg2[%mul3A_2] : memref<65536xi32, #tpu.memory_space<hbm>> -> memref<2048xi32, #tpu.memory_space<hbm>>
      tpu.wait_dma2 semaphore(%run_scoped3A : memref<!tpu.dma_semaphore, #tpu.memory_space<semaphore_mem>>) src(%dma_wait3A_22 : memref<2048xi32, #tpu.memory_space<hbm>>) dst(%arg6 : memref<2048xi32, #tpu.memory_space<vmem>>)
      tpu.yield
    }) : () -> ()
    %dma_start3A = arith.constant 0 : i32
    %dma_start3A_3 = arith.constant 0 : i32
    %dma_start3A_4 = tpu.memref_slice %arg3[%dma_start3A, %dma_start3A_3] : memref<16384x16xf32, #tpu.memory_space<hbm>> -> memref<16384x16xf32, #tpu.memory_space<hbm>>
    tpu.enqueue_indirect_dma source(%dma_start3A_4 : memref<16384x16xf32, #tpu.memory_space<hbm>>) target(%arg7 : memref<2048x16xf32, #tpu.memory_space<vmem>>) offsets(%arg6 : memref<2048xi32, #tpu.memory_space<vmem>>) semaphore(%arg9 : memref<!tpu.dma_semaphore, #tpu.memory_space<semaphore_mem>>)
    %dma_wait3A = arith.constant 0 : i32
    %dma_wait3A_5 = arith.constant 0 : i32
    %dma_wait3A_6 = tpu.memref_slice %arg3[%dma_wait3A, %dma_wait3A_5] : memref<16384x16xf32, #tpu.memory_space<hbm>> -> memref<16384x16xf32, #tpu.memory_space<hbm>>
    tpu.wait_indirect_dma semaphore(%arg9 : memref<!tpu.dma_semaphore, #tpu.memory_space<semaphore_mem>>) src(%dma_wait3A_6 : memref<16384x16xf32, #tpu.memory_space<hbm>>) dst(%arg7 : memref<2048x16xf32, #tpu.memory_space<vmem>>)
    "tpu.region"() ({
      %run_scoped3A = tpu.sem_alloc : memref<!tpu.dma_semaphore, #tpu.memory_space<semaphore_mem>>
      %dma_start3A_19 = arith.constant 0 : i32
      %dma_start3A_20 = tpu.memref_slice %arg4[%mul3A_2, %dma_start3A_19] : memref<65536x16xf32, #tpu.memory_space<hbm>> -> memref<2048x16xf32, #tpu.memory_space<hbm>>
      %dma_start3A_21 = arith.constant 0 : i32
      %dma_start3A_22 = tpu.memref_slice %arg4[%mul3A_2, %dma_start3A_21] : memref<65536x16xf32, #tpu.memory_space<hbm>> -> memref<2048x16xf32, #tpu.memory_space<hbm>>
      tpu.enqueue_dma source(%arg7 : memref<2048x16xf32, #tpu.memory_space<vmem>>) target(%dma_start3A_22 : memref<2048x16xf32, #tpu.memory_space<hbm>>) target_semaphore(%run_scoped3A : memref<!tpu.dma_semaphore, #tpu.memory_space<semaphore_mem>>)
      %dma_wait3A_23 = arith.constant 0 : i32
      %dma_wait3A_24 = tpu.memref_slice %arg4[%mul3A_2, %dma_wait3A_23] : memref<65536x16xf32, #tpu.memory_space<hbm>> -> memref<2048x16xf32, #tpu.memory_space<hbm>>
      %dma_wait3A_25 = arith.constant 0 : i32
      %dma_wait3A_26 = tpu.memref_slice %arg4[%mul3A_2, %dma_wait3A_25] : memref<65536x16xf32, #tpu.memory_space<hbm>> -> memref<2048x16xf32, #tpu.memory_space<hbm>>
      tpu.wait_dma2 semaphore(%run_scoped3A : memref<!tpu.dma_semaphore, #tpu.memory_space<semaphore_mem>>) src(%arg7 : memref<2048x16xf32, #tpu.memory_space<vmem>>) dst(%dma_wait3A_26 : memref<2048x16xf32, #tpu.memory_space<hbm>>)
      tpu.yield
    }) : () -> ()
    %broadcast_in_dim3A = arith.constant 0.000000e+00 : f32
    %broadcast_in_dim3A_7 = vector.broadcast %broadcast_in_dim3A : f32 to vector<16xf32>
    %scan3A = arith.constant 0 : i32
    %scan3A_8 = arith.constant 128 : i32
    %scan3A_9 = arith.addi %scan3A, %scan3A_8 : i32
    %scan3A_10 = arith.constant 1 : i32
    %scan3A_11:4 = scf.for %scan3A_19 = %scan3A to %scan3A_9 step %scan3A_10 iter_args(%scan3A_20 = %broadcast_in_dim3A_7, %scan3A_21 = %broadcast_in_dim3A_7, %scan3A_22 = %broadcast_in_dim3A_7, %scan3A_23 = %broadcast_in_dim3A_7) -> (vector<16xf32>, vector<16xf32>, vector<16xf32>, vector<16xf32>)  : i32 {
      %mul3A_24 = arith.constant 16 : i32
      %mul3A_25 = arith.muli %scan3A_19, %mul3A_24 : i32
      %add3A_26 = arith.constant 0 : i32
      %add3A_27 = arith.addi %mul3A_25, %add3A_26 : i32
      %get3A = arith.index_cast %add3A_27 : i32 to index
      %get3A_28 = arith.constant 0 : index
      %get3A_29 = tpu.vector_load %arg7[%get3A, %get3A_28] {strides = array<i32>} : memref<2048x16xf32, #tpu.memory_space<vmem>>, vector<1x16xf32>,
      %get3A_30 = vector.shape_cast %get3A_29 : vector<1x16xf32> to vector<16xf32>
      %add3A_31 = arith.addf %scan3A_20, %get3A_30 : vector<16xf32>
      %add3A_32 = arith.constant 4 : i32
      %add3A_33 = arith.addi %mul3A_25, %add3A_32 : i32
      %add3A_34 = arith.constant 0 : i32
      %add3A_35 = arith.addi %add3A_33, %add3A_34 : i32
      %get3A_36 = arith.index_cast %add3A_35 : i32 to index
      %get3A_37 = arith.constant 0 : index
      %get3A_38 = tpu.vector_load %arg7[%get3A_36, %get3A_37] {strides = array<i32>} : memref<2048x16xf32, #tpu.memory_space<vmem>>, vector<1x16xf32>,
      %get3A_39 = vector.shape_cast %get3A_38 : vector<1x16xf32> to vector<16xf32>
      %add3A_40 = arith.addf %add3A_31, %get3A_39 : vector<16xf32>
      %add3A_41 = arith.constant 8 : i32
      %add3A_42 = arith.addi %mul3A_25, %add3A_41 : i32
      %add3A_43 = arith.constant 0 : i32
      %add3A_44 = arith.addi %add3A_42, %add3A_43 : i32
      %get3A_45 = arith.index_cast %add3A_44 : i32 to index
      %get3A_46 = arith.constant 0 : index
      %get3A_47 = tpu.vector_load %arg7[%get3A_45, %get3A_46] {strides = array<i32>} : memref<2048x16xf32, #tpu.memory_space<vmem>>, vector<1x16xf32>,
      %get3A_48 = vector.shape_cast %get3A_47 : vector<1x16xf32> to vector<16xf32>
      %add3A_49 = arith.addf %add3A_40, %get3A_48 : vector<16xf32>
      %add3A_50 = arith.constant 12 : i32
      %add3A_51 = arith.addi %mul3A_25, %add3A_50 : i32
      %add3A_52 = arith.constant 0 : i32
      %add3A_53 = arith.addi %add3A_51, %add3A_52 : i32
      %get3A_54 = arith.index_cast %add3A_53 : i32 to index
      %get3A_55 = arith.constant 0 : index
      %get3A_56 = tpu.vector_load %arg7[%get3A_54, %get3A_55] {strides = array<i32>} : memref<2048x16xf32, #tpu.memory_space<vmem>>, vector<1x16xf32>,
      %get3A_57 = vector.shape_cast %get3A_56 : vector<1x16xf32> to vector<16xf32>
      %add3A_58 = arith.addf %add3A_49, %get3A_57 : vector<16xf32>
      %add3A_59 = arith.constant 1 : i32
      %add3A_60 = arith.addi %mul3A_25, %add3A_59 : i32
      %get3A_61 = arith.index_cast %add3A_60 : i32 to index
      %get3A_62 = arith.constant 0 : index
      %get3A_63 = tpu.vector_load %arg7[%get3A_61, %get3A_62] {strides = array<i32>} : memref<2048x16xf32, #tpu.memory_space<vmem>>, vector<1x16xf32>,
      %get3A_64 = vector.shape_cast %get3A_63 : vector<1x16xf32> to vector<16xf32>
      %add3A_65 = arith.addf %scan3A_21, %get3A_64 : vector<16xf32>
      %add3A_66 = arith.constant 4 : i32
      %add3A_67 = arith.addi %mul3A_25, %add3A_66 : i32
      %add3A_68 = arith.constant 1 : i32
      %add3A_69 = arith.addi %add3A_67, %add3A_68 : i32
      %get3A_70 = arith.index_cast %add3A_69 : i32 to index
      %get3A_71 = arith.constant 0 : index
      %get3A_72 = tpu.vector_load %arg7[%get3A_70, %get3A_71] {strides = array<i32>} : memref<2048x16xf32, #tpu.memory_space<vmem>>, vector<1x16xf32>,
      %get3A_73 = vector.shape_cast %get3A_72 : vector<1x16xf32> to vector<16xf32>
      %add3A_74 = arith.addf %add3A_65, %get3A_73 : vector<16xf32>
      %add3A_75 = arith.constant 8 : i32
      %add3A_76 = arith.addi %mul3A_25, %add3A_75 : i32
      %add3A_77 = arith.constant 1 : i32
      %add3A_78 = arith.addi %add3A_76, %add3A_77 : i32
      %get3A_79 = arith.index_cast %add3A_78 : i32 to index
      %get3A_80 = arith.constant 0 : index
      %get3A_81 = tpu.vector_load %arg7[%get3A_79, %get3A_80] {strides = array<i32>} : memref<2048x16xf32, #tpu.memory_space<vmem>>, vector<1x16xf32>,
      %get3A_82 = vector.shape_cast %get3A_81 : vector<1x16xf32> to vector<16xf32>
      %add3A_83 = arith.addf %add3A_74, %get3A_82 : vector<16xf32>
      %add3A_84 = arith.constant 12 : i32
      %add3A_85 = arith.addi %mul3A_25, %add3A_84 : i32
      %add3A_86 = arith.constant 1 : i32
      %add3A_87 = arith.addi %add3A_85, %add3A_86 : i32
      %get3A_88 = arith.index_cast %add3A_87 : i32 to index
      %get3A_89 = arith.constant 0 : index
      %get3A_90 = tpu.vector_load %arg7[%get3A_88, %get3A_89] {strides = array<i32>} : memref<2048x16xf32, #tpu.memory_space<vmem>>, vector<1x16xf32>,
      %get3A_91 = vector.shape_cast %get3A_90 : vector<1x16xf32> to vector<16xf32>
      %add3A_92 = arith.addf %add3A_83, %get3A_91 : vector<16xf32>
      %add3A_93 = arith.constant 2 : i32
      %add3A_94 = arith.addi %mul3A_25, %add3A_93 : i32
      %get3A_95 = arith.index_cast %add3A_94 : i32 to index
      %get3A_96 = arith.constant 0 : index
      %get3A_97 = tpu.vector_load %arg7[%get3A_95, %get3A_96] {strides = array<i32>} : memref<2048x16xf32, #tpu.memory_space<vmem>>, vector<1x16xf32>,
      %get3A_98 = vector.shape_cast %get3A_97 : vector<1x16xf32> to vector<16xf32>
      %add3A_99 = arith.addf %scan3A_22, %get3A_98 : vector<16xf32>
      %add3A_100 = arith.constant 4 : i32
      %add3A_101 = arith.addi %mul3A_25, %add3A_100 : i32
      %add3A_102 = arith.constant 2 : i32
      %add3A_103 = arith.addi %add3A_101, %add3A_102 : i32
      %get3A_104 = arith.index_cast %add3A_103 : i32 to index
      %get3A_105 = arith.constant 0 : index
      %get3A_106 = tpu.vector_load %arg7[%get3A_104, %get3A_105] {strides = array<i32>} : memref<2048x16xf32, #tpu.memory_space<vmem>>, vector<1x16xf32>,
      %get3A_107 = vector.shape_cast %get3A_106 : vector<1x16xf32> to vector<16xf32>
      %add3A_108 = arith.addf %add3A_99, %get3A_107 : vector<16xf32>
      %add3A_109 = arith.constant 8 : i32
      %add3A_110 = arith.addi %mul3A_25, %add3A_109 : i32
      %add3A_111 = arith.constant 2 : i32
      %add3A_112 = arith.addi %add3A_110, %add3A_111 : i32
      %get3A_113 = arith.index_cast %add3A_112 : i32 to index
      %get3A_114 = arith.constant 0 : index
      %get3A_115 = tpu.vector_load %arg7[%get3A_113, %get3A_114] {strides = array<i32>} : memref<2048x16xf32, #tpu.memory_space<vmem>>, vector<1x16xf32>,
      %get3A_116 = vector.shape_cast %get3A_115 : vector<1x16xf32> to vector<16xf32>
      %add3A_117 = arith.addf %add3A_108, %get3A_116 : vector<16xf32>
      %add3A_118 = arith.constant 12 : i32
      %add3A_119 = arith.addi %mul3A_25, %add3A_118 : i32
      %add3A_120 = arith.constant 2 : i32
      %add3A_121 = arith.addi %add3A_119, %add3A_120 : i32
      %get3A_122 = arith.index_cast %add3A_121 : i32 to index
      %get3A_123 = arith.constant 0 : index
      %get3A_124 = tpu.vector_load %arg7[%get3A_122, %get3A_123] {strides = array<i32>} : memref<2048x16xf32, #tpu.memory_space<vmem>>, vector<1x16xf32>,
      %get3A_125 = vector.shape_cast %get3A_124 : vector<1x16xf32> to vector<16xf32>
      %add3A_126 = arith.addf %add3A_117, %get3A_125 : vector<16xf32>
      %add3A_127 = arith.constant 3 : i32
      %add3A_128 = arith.addi %mul3A_25, %add3A_127 : i32
      %get3A_129 = arith.index_cast %add3A_128 : i32 to index
      %get3A_130 = arith.constant 0 : index
      %get3A_131 = tpu.vector_load %arg7[%get3A_129, %get3A_130] {strides = array<i32>} : memref<2048x16xf32, #tpu.memory_space<vmem>>, vector<1x16xf32>,
      %get3A_132 = vector.shape_cast %get3A_131 : vector<1x16xf32> to vector<16xf32>
      %add3A_133 = arith.addf %scan3A_23, %get3A_132 : vector<16xf32>
      %add3A_134 = arith.constant 4 : i32
      %add3A_135 = arith.addi %mul3A_25, %add3A_134 : i32
      %add3A_136 = arith.constant 3 : i32
      %add3A_137 = arith.addi %add3A_135, %add3A_136 : i32
      %get3A_138 = arith.index_cast %add3A_137 : i32 to index
      %get3A_139 = arith.constant 0 : index
      %get3A_140 = tpu.vector_load %arg7[%get3A_138, %get3A_139] {strides = array<i32>} : memref<2048x16xf32, #tpu.memory_space<vmem>>, vector<1x16xf32>,
      %get3A_141 = vector.shape_cast %get3A_140 : vector<1x16xf32> to vector<16xf32>
      %add3A_142 = arith.addf %add3A_133, %get3A_141 : vector<16xf32>
      %add3A_143 = arith.constant 8 : i32
      %add3A_144 = arith.addi %mul3A_25, %add3A_143 : i32
      %add3A_145 = arith.constant 3 : i32
      %add3A_146 = arith.addi %add3A_144, %add3A_145 : i32
      %get3A_147 = arith.index_cast %add3A_146 : i32 to index
      %get3A_148 = arith.constant 0 : index
      %get3A_149 = tpu.vector_load %arg7[%get3A_147, %get3A_148] {strides = array<i32>} : memref<2048x16xf32, #tpu.memory_space<vmem>>, vector<1x16xf32>,
      %get3A_150 = vector.shape_cast %get3A_149 : vector<1x16xf32> to vector<16xf32>
      %add3A_151 = arith.addf %add3A_142, %get3A_150 : vector<16xf32>
      %add3A_152 = arith.constant 12 : i32
      %add3A_153 = arith.addi %mul3A_25, %add3A_152 : i32
      %add3A_154 = arith.constant 3 : i32
      %add3A_155 = arith.addi %add3A_153, %add3A_154 : i32
      %get3A_156 = arith.index_cast %add3A_155 : i32 to index
      %get3A_157 = arith.constant 0 : index
      %get3A_158 = tpu.vector_load %arg7[%get3A_156, %get3A_157] {strides = array<i32>} : memref<2048x16xf32, #tpu.memory_space<vmem>>, vector<1x16xf32>,
      %get3A_159 = vector.shape_cast %get3A_158 : vector<1x16xf32> to vector<16xf32>
      %add3A_160 = arith.addf %add3A_151, %get3A_159 : vector<16xf32>
      scf.yield %add3A_58, %add3A_92, %add3A_126, %add3A_160 : vector<16xf32>, vector<16xf32>, vector<16xf32>, vector<16xf32>
    }
    %scan3A_12 = arith.constant 128 : i32
    %add3A_13 = arith.addf %scan3A_11#0, %scan3A_11#1 : vector<16xf32>
    %add3A_14 = arith.addf %scan3A_11#2, %scan3A_11#3 : vector<16xf32>
    %add3A_15 = arith.addf %add3A_13, %add3A_14 : vector<16xf32>
    %swap3A = arith.constant 0 : index
    %swap3A_16 = tpu.vector_load %arg8[%swap3A] {strides = array<i32>} : memref<16xf32, #tpu.memory_space<vmem>>, vector<16xf32>,
    %swap3A_17 = vector.shape_cast %swap3A_16 : vector<16xf32> to vector<16xf32>
    %swap3A_18 = vector.shape_cast %add3A_15 : vector<16xf32> to vector<16xf32>
    tpu.vector_store %arg8[%swap3A], %swap3A_18 {strides = array<i32>} : memref<16xf32, #tpu.memory_space<vmem>>, vector<16xf32>,
    "tpu.region"() ({
      %run_scoped3A = tpu.sem_alloc : memref<!tpu.dma_semaphore, #tpu.memory_space<semaphore_mem>>
      %dma_start3A_19 = arith.constant 0 : i32
      %dma_start3A_20 = tpu.memref_slice %arg5[%add3A, %dma_start3A_19] : memref<32x16xf32, #tpu.memory_space<hbm>> -> memref<1x16xf32, #tpu.memory_space<hbm>>
      %dma_start3A_21 = tpu.memref_squeeze %dma_start3A_20 : memref<1x16xf32, #tpu.memory_space<hbm>> -> memref<16xf32, #tpu.memory_space<hbm>>
      %dma_start3A_22 = arith.constant 0 : i32
      %dma_start3A_23 = tpu.memref_slice %arg5[%add3A, %dma_start3A_22] : memref<32x16xf32, #tpu.memory_space<hbm>> -> memref<1x16xf32, #tpu.memory_space<hbm>>
      %dma_start3A_24 = tpu.memref_squeeze %dma_start3A_23 : memref<1x16xf32, #tpu.memory_space<hbm>> -> memref<16xf32, #tpu.memory_space<hbm>>
      tpu.enqueue_dma source(%arg8 : memref<16xf32, #tpu.memory_space<vmem>>) target(%dma_start3A_24 : memref<16xf32, #tpu.memory_space<hbm>>) target_semaphore(%run_scoped3A : memref<!tpu.dma_semaphore, #tpu.memory_space<semaphore_mem>>)
      %dma_wait3A_25 = arith.constant 0 : i32
      %dma_wait3A_26 = tpu.memref_slice %arg5[%add3A, %dma_wait3A_25] : memref<32x16xf32, #tpu.memory_space<hbm>> -> memref<1x16xf32, #tpu.memory_space<hbm>>
      %dma_wait3A_27 = tpu.memref_squeeze %dma_wait3A_26 : memref<1x16xf32, #tpu.memory_space<hbm>> -> memref<16xf32, #tpu.memory_space<hbm>>
      %dma_wait3A_28 = arith.constant 0 : i32
      %dma_wait3A_29 = tpu.memref_slice %arg5[%add3A, %dma_wait3A_28] : memref<32x16xf32, #tpu.memory_space<hbm>> -> memref<1x16xf32, #tpu.memory_space<hbm>>
      %dma_wait3A_30 = tpu.memref_squeeze %dma_wait3A_29 : memref<1x16xf32, #tpu.memory_space<hbm>> -> memref<16xf32, #tpu.memory_space<hbm>>
      tpu.wait_dma2 semaphore(%run_scoped3A : memref<!tpu.dma_semaphore, #tpu.memory_space<semaphore_mem>>) src(%arg8 : memref<16xf32, #tpu.memory_space<vmem>>) dst(%dma_wait3A_30 : memref<16xf32, #tpu.memory_space<hbm>>)
      tpu.yield
    }) : () -> ()
    return
  }
}

module attributes {stable_mosaic.version = 14 : i64} {
  func.func @_vq_kernel(%arg0: i32, %arg1: i32, %arg2: memref<1x1xf32, #tpu.memory_space<smem>>, %arg3: memref<1x4x4096xf32, #tpu.memory_space<vmem>>, %arg4: memref<1x4x1024xf32, #tpu.memory_space<vmem>>, %arg5: memref<1x1x1024xf32, #tpu.memory_space<vmem>>, %arg6: memref<1x1x4096xi32, #tpu.memory_space<vmem>>) attributes {dimension_semantics = [#tpu.dimension_semantics<arbitrary>, #tpu.dimension_semantics<arbitrary>], iteration_bounds = array<i64: 16, 1>, scalar_prefetch = 0 : i64, scratch_operands = 0 : i64, tpu.core_type = #tpu.core_type<tc>, window_params = [{transform_indices = @transform_0, window_bounds = array<i64: 1, 1>}, {transform_indices = @transform_1, window_bounds = array<i64: 1, 4, 4096>}, {transform_indices = @transform_2, window_bounds = array<i64: 1, 4, 1024>}, {transform_indices = @transform_3, window_bounds = array<i64: 1, 1, 1024>}, {transform_indices = @transform_4, window_bounds = array<i64: 1, 1, 4096>}]} {
    %get3A = arith.constant 0 : index
    %get3A_0 = arith.constant 0 : index
    %get3A_1 = arith.constant 0 : index
    %get3A_2 = vector.load %arg3[%get3A, %get3A_0, %get3A_1] : memref<1x4x4096xf32, #tpu.memory_space<vmem>>, vector<1x4x4096xf32>
    %get3A_3 = vector.shape_cast %get3A_2 : vector<1x4x4096xf32> to vector<4x4096xf32>
    %get3A_4 = arith.constant 0 : index
    %get3A_5 = arith.constant 0 : index
    %get3A_6 = arith.constant 0 : index
    %get3A_7 = vector.load %arg4[%get3A_4, %get3A_5, %get3A_6] : memref<1x4x1024xf32, #tpu.memory_space<vmem>>, vector<1x4x1024xf32>
    %get3A_8 = vector.shape_cast %get3A_7 : vector<1x4x1024xf32> to vector<4x1024xf32>
    %get3A_9 = arith.constant 0 : index
    %get3A_10 = arith.constant 0 : index
    %get3A_11 = arith.constant 0 : index
    %get3A_12 = vector.load %arg5[%get3A_9, %get3A_10, %get3A_11] : memref<1x1x1024xf32, #tpu.memory_space<vmem>>, vector<1x1x1024xf32>
    %get3A_13 = vector.shape_cast %get3A_12 : vector<1x1x1024xf32> to vector<1x1024xf32>
    %reduce_max3A = arith.constant dense<0xFF800000> : vector<1xf32>
    %reduce_max3A_14 = vector.multi_reduction <maximumf>, %get3A_13, %reduce_max3A [1] : vector<1x1024xf32> to vector<1xf32>
    %broadcast_in_dim3A = vector.shape_cast %reduce_max3A_14 : vector<1xf32> to vector<1x1xf32>
    %sub3A = vector.broadcast %broadcast_in_dim3A : vector<1x1xf32> to vector<1x1024xf32>
    %sub3A_15 = arith.subf %get3A_13, %sub3A : vector<1x1024xf32>
    %exp3A = math.exp %sub3A_15 : vector<1x1024xf32>
    %reduce_sum3A = arith.constant dense<0.000000e+00> : vector<1xf32>
    %reduce_sum3A_16 = vector.multi_reduction <add>, %exp3A, %reduce_sum3A [1] : vector<1x1024xf32> to vector<1xf32>
    %broadcast_in_dim3A_17 = vector.shape_cast %reduce_sum3A_16 : vector<1xf32> to vector<1x1xf32>
    %log3A = math.log %broadcast_in_dim3A_17 : vector<1x1xf32>
    %add3A = arith.addf %log3A, %broadcast_in_dim3A : vector<1x1xf32>
    %sub3A_18 = vector.broadcast %add3A : vector<1x1xf32> to vector<1x1024xf32>
    %sub3A_19 = arith.subf %sub3A_18, %get3A_13 : vector<1x1024xf32>
    %mul3A = arith.constant 1.44269502 : f32
    %mul3A_20 = vector.broadcast %mul3A : f32 to vector<1x1024xf32>
    %mul3A_21 = arith.mulf %sub3A_19, %mul3A_20 : vector<1x1024xf32>
    %get3A_22 = arith.constant 0 : index
    %get3A_23 = arith.constant 0 : index
    %get3A_24 = memref.load %arg2[%get3A_22, %get3A_23] : memref<1x1xf32, #tpu.memory_space<smem>>
    %div3A = vector.broadcast %get3A_24 : f32 to vector<1x1024xf32>
    %div3A_25 = arith.divf %mul3A_21, %div3A : vector<1x1024xf32>
    %mul3A_26 = arith.mulf %get3A_3, %get3A_3 : vector<4x4096xf32>
    %reduce_sum3A_27 = arith.constant dense<0.000000e+00> : vector<4096xf32>
    %reduce_sum3A_28 = vector.multi_reduction <add>, %mul3A_26, %reduce_sum3A_27 [0] : vector<4x4096xf32> to vector<4096xf32>
    %broadcast_in_dim3A_29 = vector.shape_cast %reduce_sum3A_28 : vector<4096xf32> to vector<1x4096xf32>
    %mul3A_30 = arith.mulf %get3A_8, %get3A_8 : vector<4x1024xf32>
    %reduce_sum3A_31 = arith.constant dense<0.000000e+00> : vector<1024xf32>
    %reduce_sum3A_32 = vector.multi_reduction <add>, %mul3A_30, %reduce_sum3A_31 [0] : vector<4x1024xf32> to vector<1024xf32>
    %broadcast_in_dim3A_33 = vector.shape_cast %reduce_sum3A_32 : vector<1024xf32> to vector<1x1024xf32>
    %mul3A_34 = arith.constant 2.500000e-01 : f32
    %mul3A_35 = vector.broadcast %mul3A_34 : f32 to vector<1x1024xf32>
    %mul3A_36 = arith.mulf %mul3A_35, %broadcast_in_dim3A_33 : vector<1x1024xf32>
    %reshape3A = vector.shape_cast %mul3A_36 : vector<1x1024xf32> to vector<1024x1xf32>
    %reshape3A_37 = vector.shape_cast %div3A_25 : vector<1x1024xf32> to vector<1024x1xf32>
    %dot_general3A = arith.constant dense<0.000000e+00> : vector<1024x4096xf32>
    %dot_general3A_38 = tpu.matmul %get3A_8, %get3A_3, %dot_general3A {dimension_numbers = #tpu.dot_dimension_numbers<[0], [0], [1], [1], [0, 1, 1, 1], [], []>, transpose_lhs_hint = false} : vector<4x1024xf32>, vector<4x4096xf32>, vector<1024x4096xf32> -> vector<1024x4096xf32>
    %add3A_39 = vector.broadcast %broadcast_in_dim3A_29 : vector<1x4096xf32> to vector<1024x4096xf32>
    %add3A_40 = vector.broadcast %reshape3A : vector<1024x1xf32> to vector<1024x4096xf32>
    %add3A_41 = arith.addf %add3A_39, %add3A_40 : vector<1024x4096xf32>
    %add3A_42 = arith.addf %add3A_41, %dot_general3A_38 : vector<1024x4096xf32>
    %add3A_43 = vector.broadcast %reshape3A_37 : vector<1024x1xf32> to vector<1024x4096xf32>
    %add3A_44 = arith.addf %add3A_43, %add3A_42 : vector<1024x4096xf32>
    %argmin3A = tpu.reduce_index %add3A_44 {axis = 0 : i32, kind = #tpu.reduction_kind<arg_min>} : vector<1024x4096xf32> -> vector<4096xi32>
    %mul3A_45 = arith.constant 1024 : i32
    %mul3A_46 = arith.muli %arg0, %mul3A_45 : i32
    %add3A_47 = vector.broadcast %mul3A_46 : i32 to vector<4096xi32>
    %add3A_48 = arith.addi %argmin3A, %add3A_47 : vector<4096xi32>
    %swap3A = arith.constant 0 : index
    %swap3A_49 = arith.constant 0 : index
    %swap3A_50 = arith.constant 0 : index
    %swap3A_51 = vector.load %arg6[%swap3A, %swap3A_49, %swap3A_50] : memref<1x1x4096xi32, #tpu.memory_space<vmem>>, vector<1x1x4096xi32>
    %swap3A_52 = vector.shape_cast %swap3A_51 : vector<1x1x4096xi32> to vector<4096xi32>
    %swap3A_53 = vector.shape_cast %add3A_48 : vector<4096xi32> to vector<1x1x4096xi32>
    tpu.vector_store %arg6[%swap3A, %swap3A_49, %swap3A_50], %swap3A_53 {strides = array<i32>} : memref<1x1x4096xi32, #tpu.memory_space<vmem>>, vector<1x1x4096xi32>,
    return
  }
  func.func @transform_0(%arg0: i32, %arg1: i32) -> (i32, i32) {
    %c0_i32 = arith.constant 0 : i32
    %c0_i32_0 = arith.constant 0 : i32
    %c0_i32_1 = arith.constant 0 : i32
    return %c0_i32, %c0_i32_0 : i32, i32
  }
  func.func @transform_1(%arg0: i32, %arg1: i32) -> (i32, i32, i32) {
    %c0_i32 = arith.constant 0 : i32
    %c0_i32_0 = arith.constant 0 : i32
    return %arg0, %c0_i32, %arg1 : i32, i32, i32
  }
  func.func @transform_2(%arg0: i32, %arg1: i32) -> (i32, i32, i32) {
    %c0_i32 = arith.constant 0 : i32
    %c0_i32_0 = arith.constant 0 : i32
    %c0_i32_1 = arith.constant 0 : i32
    return %arg0, %c0_i32, %c0_i32_0 : i32, i32, i32
  }
  func.func @transform_3(%arg0: i32, %arg1: i32) -> (i32, i32, i32) {
    %c0_i32 = arith.constant 0 : i32
    %c0_i32_0 = arith.constant 0 : i32
    %c0_i32_1 = arith.constant 0 : i32
    return %arg0, %c0_i32, %c0_i32_0 : i32, i32, i32
  }
  func.func @transform_4(%arg0: i32, %arg1: i32) -> (i32, i32, i32) {
    %c0_i32 = arith.constant 0 : i32
    %c0_i32_0 = arith.constant 0 : i32
    return %arg0, %c0_i32, %arg1 : i32, i32, i32
  }
}

</mosaic_0001>

<sc_bundles>
// kernel: kernel.4.cloned.1.call-start
scs
__scs_entry_jumppad:
0x0: {  	(pc) =	sbr.rel $0x88, $3  }
0x1: {  	(tag) =	ssettag $0x0;
	lr =	simm.s32 $0x1  }
0x2: {  	[smem:$0x3F9D] =	sst lr;
	_ =	strace $0xD0000000  }
0x3: {  	_ = 	snop  }
0x4: {  	_ = 	snop  }
0x5: {  	_ = 	snop  }
0x6: {  	_ = 	snop  }
0x7: {  	_ = 	snop  }
__scs_overlays_trampoline_lowered:
0x8: {  	[smem:$0x3FAC] =	sst s0  }
0x9: {  	[smem:$0x3FAD] =	sst s1  }
0xa: {  	[smem:$0x3FAE] =	sst s2  }
0xb: {  	[smem:$0x3FAF] =	sst s3  }
0xc: {  	[smem:$0x3FB0] =	sst s4  }
0xd: {  	[smem:$0x3FB1] =	sst s5  }
0xe: {  	[smem:$0x3FB2] =	sst s6  }
0xf: {  	[smem:$0x3FB3] =	sst s7  }
0x10: {  	[smem:$0x3FB4] =	sst s8  }
0x11: {  	[smem:$0x3FB5] =	sst s9;
	s0 =	simm.s32 @!p0 $0x0  }
0x12: {  	s1 =	sld [smem:$0x3F9B];
	s0 =	simm.s32 @p0 $0x1  }
0x13: {  	[smem:$0x3FB6] =	sst s0;
	s0 =	simm.s32 @!p1 $0x0  }
0x14: {  	s2 =	sld [smem:$0x3F9A];
	s0 =	simm.s32 @p1 $0x1  }
0x15: {  	[smem:$0x3FB7] =	sst s0;
	s0 =	simm.s32 @!p2 $0x0  }
0x16: {  	s3 =	sld [smem:$0x3FDB];
	s0 =	simm.s32 @p2 $0x1  }
0x17: {  	s4 =	simm.s32 $0x1BF5;
	[smem:$0x3FB9] =	sst s0  }
0x18: {  	s0 =	sld [smem:$0x3F9C];
	_ =	swait.ge [sflag:s4], $0x0  }
0x19: {  	s7 =	sld [smem:$0x3F9D]  }
0x1a: {  	s8 =	sadd.s32 $0xFFFFE003, lr  }
0x1b: {  	s9 =	sadd.s32 $0xFFFFFEF7, lr;
	s5 =	simm.s32 $0xFFFFFFFF;
	p2 =	slt.u32 s8, $0xFFFFF086  }
0x1c: {  	p1 =	slt.u32 s9, $0xF7A;
	s5 =	simm.s32 @!p2 $0x0  }
0x1d: {  	s5 =	simm.s32 @p1 $0x1;
	p0 =	seq.s32 s7, s2  }
0x1e: {  	s7 =	smul.u32 @!p0 $0xF7A, s2;
	p2 =	seq.s32 @!p0 s5, $0x0  }
0x1f: {  	s9 =	smul.u32 $0xF7A, s1;
	s8 =	simm.s32 @!p0 $0x1BF5;
	p2 =	por !p2, p0  }
0x20: {  	[sflag:s8] =	ssyncset.s32 @!p0 $0xFFFFF086;
	s6 =	sadd.s32 @!p0 s3, s7;
	s7 =	simm.s32 @!p0 $0x108  }
0x21: {  	s3 =	sadd.s32 s3, s9;
	s6 =	sadd.s32 @!p0 $0x88, s6;
	s7 =	simm.s32 @p2 $0x1082  }
0x22: {  	[simem:s7], [sflag:s8] =	dma.local @!p0 [hbm:s6], $0xF7A  }
0x23: {  	s9 =	sor.u32 $0xD0000000, s2;
	s6 =	simm.s32 $0x108;
	_ =	swait.ge @!p0 [sflag:s8], $0x0  }
0x24: {  	s3 =	sadd.s32 $0x88, s3;
	s6 =	simm.s32 @!p1 $0x1082;
	[sflag:s4] =	ssyncset.s32 $0xFFFFF086  }
0x25: {  	[simem:s6], [sflag:s4] =	dma.local [hbm:s3], $0xF7A  }
0x26: {  	[smem:$0x3F9D] =	sst s1;
	(tag) =	ssettag s2;
	_ =	strace s9  }
0x27: {  	s1 =	sld [smem:$0x3FAD]  }
0x28: {  	s2 =	sld [smem:$0x3FAE]  }
0x29: {  	s4 =	sld [smem:$0x3FB0]  }
0x2a: {  	p0 =	seq.s32 s5, $0x0;
	s5 =	sld [smem:$0x3FB1]  }
0x2b: {  	s6 =	sld [smem:$0x3FB2]  }
0x2c: {  	s7 =	sld [smem:$0x3FB3]  }
0x2d: {  	s3 =	simm.s32 $0x108;
	s8 =	sld [smem:$0x3FB4]  }
0x2e: {  	s3 =	simm.s32 @!p0 $0x1082;
	s9 =	sld [smem:$0x3FB5]  }
0x2f: {  	lr =	sadd.s32 s0, s3;
	s0 =	sld [smem:$0x3FAC]  }
0x30: {  	s3 =	sld [smem:$0x3FAF]  }
0x31: {  	[smem:$0x3FB8] =	sst s10  }
0x32: {  	s10 =	sld [smem:$0x3FB6];
	_ =	sdelay $0x3  }
0x33: {  	p0 =	seq.s32 s10, $0x1;
	s10 =	sld [smem:$0x3FB8];
	_ =	sdelay $0x3  }
0x34: {  	[smem:$0x3FB8] =	sst s10  }
0x35: {  	s10 =	sld [smem:$0x3FB7];
	_ =	sdelay $0x3  }
0x36: {  	p1 =	seq.s32 s10, $0x1;
	s10 =	sld [smem:$0x3FB8];
	_ =	sdelay $0x3  }
0x37: {  	[smem:$0x3FB8] =	sst s10  }
0x38: {  	s10 =	sld [smem:$0x3FB9]  }
0x39: {  	_ = 	snop;
	(pc) =	sbr.ind lr, $3  }
0x3a: {  	_ = 	snop  }
0x3b: {  	_ = 	snop  }
0x3c: {  	p2 =	seq.s32 s10, $0x1;
	s10 =	sld [smem:$0x3FB8]  }
0x3d: {  	_ =	shalt  }
0x3e: {  	_ =	shalt  }
0x3f: {  	_ =	shalt  }
0x40: {  	_ =	shalt  }
0x41: {  	_ =	shalt  }
0x42: {  	_ =	shalt  }
0x43: {  	_ =	shalt  }
0x44: {  	_ =	shalt  }
0x45: {  	_ =	shalt  }
0x46: {  	_ =	shalt  }
0x47: {  	_ =	shalt  }
0x48: {  	_ =	shalt  }
0x49: {  	_ =	shalt  }
0x4a: {  	_ =	shalt  }
0x4b: {  	_ =	shalt  }
0x4c: {  	_ =	shalt  }
0x4d: {  	_ =	shalt  }
0x4e: {  	_ =	shalt  }
0x4f: {  	_ =	shalt  }
0x50: {  	_ =	shalt  }
0x51: {  	_ =	shalt  }
0x52: {  	_ =	shalt  }
0x53: {  	_ =	shalt  }
0x54: {  	_ =	shalt  }
0x55: {  	_ =	shalt  }
0x56: {  	_ =	shalt  }
0x57: {  	_ =	shalt  }
0x58: {  	_ =	shalt  }
0x59: {  	_ =	shalt  }
0x5a: {  	_ =	shalt  }
0x5b: {  	_ =	shalt  }
0x5c: {  	_ =	shalt  }
0x5d: {  	_ =	shalt  }
0x5e: {  	_ =	shalt  }
0x5f: {  	_ =	shalt  }
0x60: {  	_ =	shalt  }
0x61: {  	_ =	shalt  }
0x62: {  	_ =	shalt  }
0x63: {  	_ =	shalt  }
0x64: {  	_ =	shalt  }
0x65: {  	_ =	shalt  }
0x66: {  	_ =	shalt  }
0x67: {  	_ =	shalt  }
0x68: {  	_ =	shalt  }
0x69: {  	_ =	shalt  }
0x6a: {  	_ =	shalt  }
0x6b: {  	_ =	shalt  }
0x6c: {  	_ =	shalt  }
0x6d: {  	_ =	shalt  }
0x6e: {  	_ =	shalt  }
0x6f: {  	_ =	shalt  }
0x70: {  	_ =	shalt  }
0x71: {  	_ =	shalt  }
0x72: {  	_ =	shalt  }
0x73: {  	_ =	shalt  }
0x74: {  	_ =	shalt  }
0x75: {  	_ =	shalt  }
0x76: {  	_ =	shalt  }
0x77: {  	_ =	shalt  }
0x78: {  	_ =	shalt  }
0x79: {  	_ =	shalt  }
0x7a: {  	_ =	shalt  }
0x7b: {  	_ =	shalt  }
0x7c: {  	_ =	shalt  }
0x7d: {  	_ =	shalt  }
0x7e: {  	_ =	shalt  }
0x7f: {  	_ =	shalt  }
0x80: {  	_ =	shalt  }
0x81: {  	_ =	shalt  }
0x82: {  	_ =	shalt  }
0x83: {  	_ =	shalt  }
0x84: {  	_ =	shalt  }
0x85: {  	_ =	shalt  }
0x86: {  	_ =	shalt  }
0x87: {  	_ =	shalt  }
.Lfunc_end0:
.L_simem_size_0:
called_computation_lowered:
.L_overlay_start_0:
0x88: {  	s2 =	sld [smem:$0x3FD9]  }
0x89: {  	s3 =	sld [smem:$0x3FFE];
	_ =	sdelay $0x1  }
0x8a: {  	s1 =	srdreg.scid  }
0x8b: {  	s0 =	sand.u32 $0x1, s1  }
0x8c: {  	s14 =	sshll.u32 s0, $0xA;
	s2 =	sadd.s32 s3, s2  }
0x8d: {  	s2 =	sadd.s32 s2, s14  }
0x8e: {  	[smem:$0x3FC4] =	sst s2  }
0x8f: {  	_ = 	snop  }
0x90: {  	s2 =	sld [smem:$0x3FD0];
	_ =	sdelay $0x2  }
0x91: {  	s15 =	simm.s32 $0xA;
	s4 =	simm.s32 $0x10  }
0x92: {  	[smem:s4], [sflag:s15] =	dma.local [hbm:s2], $0x1  }
0x93: {  	_ =	swait.eq [sflag:s15], $0x1  }
0x94: {  	[sflag:s15] =	ssyncset.done $0x0  }
0x95: {  	[sflag:s15] =	ssyncadd.s32 $0xFFFFFFFF  }
0x96: {  	s16 =	sld [smem:$0x10];
	(tm) =	ssettm $0x1  }
0x97: {  	s17 =	sld [smem:$0x3FFB];
	_ =	sdelay $0x3  }
0x98: {  	_ =	strace s17  }
0x99: {  	s3 =	sld [smem:$0x3FFC];
	_ =	sdelay $0x3  }
0x9a: {  	_ =	strace s3  }
0x9b: {  	s3 =	sld [smem:$0x3FFD];
	_ =	sdelay $0x3  }
0x9c: {  	_ =	strace s3  }
0x9d: {  	_ =	strace $0x8FFFFFFF  }
0x9e: {  	s18 =	sld [smem:$0x3FDB];
	_ =	sdelay $0x1  }
0x9f: {  	s19 =	simm.s32 $_scs_section_size  }
0xa0: {  	s5 =	simm.s32 $_size__tile_overlayer_lowered;
	s6 =	simm.s32 $_tile_overlayer_lowered  }
0xa1: {  	s22 =	simm.s32 $0x1BFF;
	s21 =	sshll.u32 s6, $0x1;
	s3 =	sadd.s32 s19, s18  }
0xa2: {  	s7 =	simm.s32 $0x0;
	s20 =	sshll.u32 s5, $0x1;
	s5 =	sadd.s32 s21, s3  }
0xa3: {  	[timem:s7], [sflag:s22] =	dma.local [hbm:s5], s20  }
0xa4: {  	_ =	swait.ge [sflag:s22], s20  }
0xa5: {  	s4 =	ssub.s32 $0x0, s20;
	[sflag:s22] =	ssyncset.done $0x0  }
0xa6: {  	[sflag:s22] =	ssyncadd.s32 s4;
	_ =	sdelay $0x1  }
0xa7: {  	s23 =	simm.s32 $0x1B8B  }
0xa8: {  	_ =	swait.ge [sflag:s23], $0x1  }
0xa9: {  	[sflag:s23] =	ssyncset.done $0x0  }
0xaa: {  	s25 =	simm.s32 $0x1B8E;
	s24 =	sld [smem:$0x3FFE];
	[sflag:s23] =	ssyncadd.s32 $0xFFFFFFFF  }
0xab: {  	s26 =	simm.s32 $execute0_lowered;
	[smem:$0x3FD2] =	sst s25  }
0xac: {  	s5 =	sshll.u32 s26, $0x1;
	_ =	strace $0x80000046;
	[dreg:$0x1] =	wrdreg $0xFFFFFFFF  }
0xad: {  	s28 =	simm.s32 $_size_execute0_lowered;
	s3 =	sadd.s32 s3, s5;
	[dreg:$0x0] =	wrdreg $0x0  }
0xae: {  	s5 =	sshll.u32 s28, $0x1;
	[dreg:$0x2] =	wrdreg s3  }
0xaf: {  	[dreg:$0x3] =	wrdreg s5  }
0xb0: {  	[dreg:$0x4] =	wrdreg $0xC0  }
0xb1: {  	_ =	task [dreg:s7], $0x5FFFF  }
0xb2: {  	[dreg:$0x1] =	wrdreg $0xFFFFFFFF  }
0xb3: {  	[dreg:$0x0] =	wrdreg $0x60  }
0xb4: {  	[dreg:$0x2] =	wrdreg s24  }
0xb5: {  	[dreg:$0x3] =	wrdreg s16  }
0xb6: {  	[dreg:$0x4] =	wrdreg $0x9  }
0xb7: {  	_ =	task.clear_ibuf [dreg:s7], $0x5FFFF;
	_ =	strace $0x90000046  }
0xb8: {  	s29 =	simm.s32 $0x9;
	_ =	strace $0x80000048  }
0xb9: {  	_ =	swait.ge [sflag:s29], $0x1  }
0xba: {  	[sflag:s29] =	ssyncadd.s32 $0xFFFFFFFF  }
0xbb: {  	_ =	strace $0x90000048  }
0xbc: {  	_ =	sfence  }
0xbd: {  	s30 =	sld [smem:$0x0];
	_ =	sdelay $0x2  }
0xbe: {  	s31 =	sshll.u32 s1, $0xD;
	s1 =	sshrl.u32 s1, $0x2  }
0xbf: {  	s3 =	sand.u32 $0x4000, s31;
	s1 =	sadd.s32 s1, s30  }
0xc0: {  	s0 =	sor.u32 s3, s0;
	s1 =	sshll.u32 s1, $0x11  }
0xc1: {  	s0 =	sor.u32 s1, s0  }
0xc2: {  	s0 =	sadd.s32 $0x8F2B, s0  }
0xc3: {  	[sflag:s0] =	ssyncadd.remote.s32 $0x1  }
0xc4: {  	_ =	sfence.sel $0xFFFF  }
0xc5: {  	[dreg:$0x0] =	wrdreg $0xFFFFFFFF;
	(pc) =	sbr.abs _section_cstart, $3  }
0xc6: {  	[dreg:$0x1] =	wrdreg $0xFFFFFFFF  }
0xc7: {  	_ =	task.clear_ibuf [dreg:s7], $0x2FFFF;
	_ =	strace $0x9FFFFFFF  }
0xc8: {  	(tm) =	ssettm $0x7FFFFFFF  }
0xc9: {  	_ =	shalt  }
tec
execute0_lowered:
.L_overlay_start_1:
0x0: {  	(tag) =	ssettag $0x1  }
0x1: {  	s4 =	rddreg [dreg:$0x0]  }
0x2: {  	s2 =	rddreg [dreg:$0x1]  }
0x3: {  	s0 =	rddreg [dreg:$0x2];
	s5 =	srdreg.scid  }
0x4: {  	s1 =	stileid.u32;
	s3 =	simm.s32 $0x0;
	s10 =	simm.s32 $0x1  }
0x5: {  	s11 =	simm.s32 $0x8800;
	s5 =	sand.u32 $0x1, s5;
	s6 =	sshll.u32 s1, $0x1  }
0x6: {  	s12 =	simm.s32 $0x0;
	[smem:$0x7FF] =	sst s3;
	s6 =	sor.u32 s5, s6  }
0x7: {  	_ =	strace $0x80000047;
	s5 =	ssub.s32 $0x2, s5;
	s7 =	sshll.u32 s6, $0xC  }
0x8: {  	s8 =	sshll.u32 s6, $0x1;
	s9 =	sshrl.u32 s5, $0x1;
	s31 =	sshll.u32 s6, $0x8  }
0x9: {  	s7 =	sadd.s32 s7, s4;
	s8 =	sadd.s32 s8, s4;
	s9 =	ssub.s32 s5, s9  }
0xa: {  	s4 =	sadd.s32 s4, s31;
	s5 =	sadd.s32 $0x2200, s7;
	s6 =	sadd.s32 $0x2000, s8  }
0xb: {  	s7 =	smax.u32 s9, $0x1;
	s8 =	simm.s32 $0x2;
	s9 =	simm.s32 $0x800  }
.LBB2_1:
0xc: {  	[tilespmem:s3], [sflag:$0x2] =	stream.linear.gather [hbm4b:s4+s3], $0x800, $0x38;
	[tilespmem:$0x8810] =	vst v63  }
0xd: {  	_ =	swait.ge [sflag:s8], $0x800  }
0xe: {  	[sflag:s8] =	ssyncset.done $0x0  }
0xf: {  	[sflag:s8] =	ssyncadd.s32 $0xFFFFF800  }
0x10: {  	[tilespmem:s9], [sflag:$0x1] =	stream.indirect.gather [hbm4b:s2+s9], $0x10, s3, s9, $0xb8;
	[tilespmem:$0x8810] =	vst v63  }
0x11: {  	_ =	swait.ge [sflag:s10], $0x8000  }
0x12: {  	[sflag:s10] =	ssyncset.done $0x0  }
0x13: {  	[sflag:s10] =	ssyncadd.s32 $0xFFFF8000  }
0x14: {  	[hbm4b:s5+s3] =	stream.linear.scatter [tilespmem:s9], [sflag:$0x2], $0x8000, $0x38;
	[tilespmem:$0x8810] =	vst v63  }
0x15: {  	_ =	swait.ge [sflag:s8], $0x8000  }
0x16: {  	[sflag:s8] =	ssyncset.done $0x0  }
0x17: {  	s13 =	simm.s32 $0x0;
	[sflag:s8] =	ssyncadd.s32 $0xFFFF8000  }
0x18: {  	v0 =	vld [tilespmem:s13+$0x8C0]  }
0x19: {  	v2 =	vld [tilespmem:s13+$0x8D0]  }
0x1a: {  	v1 =	vld [tilespmem:s13+$0x880]  }
0x1b: {  	v3 =	vld [tilespmem:s13+$0x890]  }
0x1c: {  	v4 =	vld [tilespmem:s13+$0x840]  }
0x1d: {  	v5 =	vld [tilespmem:s13+$0x850]  }
0x1e: {  	v10 =	vld [tilespmem:s13+$0x800]  }
0x1f: {  	v6 =	vimm.f32 $0.0e+00;
	v12 =	vld [tilespmem:s13+$0x810]  }
0x20: {  	s14 =	simm.s32 $0x400;
	v9 =	vimm.f32 $0.0e+00;
	v8 =	vimm.f32 $0.0e+00;
	v7 =	vimm.f32 $0.0e+00;
	v11 =	vld [tilespmem:s13+$0x820]  }
.LBB2_2:
0x21: {  	p0 =	sne.s32 s14, $0x1FC00;
	v13 =	vld [tilespmem:s13+$0x830]  }
0x22: {  	v14 =	vld [tilespmem:s13+$0x860]  }
0x23: {  	v15 =	vld [tilespmem:s13+$0x870]  }
0x24: {  	v16 =	vld [tilespmem:s13+$0x8A0]  }
0x25: {  	v6 =	vadd.f32 v10, v6;
	v9 =	vadd.f32 v12, v9;
	v10 =	vld [tilespmem:s13+$0x8B0]  }
0x26: {  	v8 =	vadd.f32 v11, v8;
	v11 =	vld [tilespmem:s13+$0x8E0];
	v7 =	vadd.f32 v13, v7  }
0x27: {  	v4 =	vadd.f32 v4, v6;
	v5 =	vadd.f32 v5, v9;
	v12 =	vld [tilespmem:s13+$0x8F0];
	s13 =	sshra.s32 s14, $0x2  }
0x28: {  	v6 =	vadd.f32 v14, v8;
	v13 =	vld [tilespmem:s13+$0x8C0];
	v7 =	vadd.f32 v15, v7  }
0x29: {  	v4 =	vadd.f32 v1, v4;
	v5 =	vadd.f32 v3, v5;
	v14 =	vld [tilespmem:s13+$0x8D0]  }
0x2a: {  	v8 =	vadd.f32 v16, v6;
	v1 =	vld [tilespmem:s13+$0x880];
	v7 =	vadd.f32 v10, v7  }
0x2b: {  	v6 =	vadd.f32 v0, v4;
	v9 =	vadd.f32 v2, v5;
	v3 =	vld [tilespmem:s13+$0x890]  }
.Ltmp0:
0x2c: {  	v8 =	vadd.f32 v11, v8;
	v4 =	vld [tilespmem:s13+$0x840];
	v7 =	vadd.f32 v12, v7;
	(pc) =	sbr.rel @p0 .LBB2_2-.Ltmp0, $4  }
0x2d: {  	v5 =	vld [tilespmem:s13+$0x850];
	v0 =	vmov v13  }
0x2e: {  	v10 =	vld [tilespmem:s13+$0x800];
	v2 =	vmov v14  }
0x2f: {  	v12 =	vld [tilespmem:s13+$0x810]  }
0x30: {  	s14 =	sadd.s32 $0x400, s14;
	v11 =	vld [tilespmem:s13+$0x820]  }
0x31: {  	v13 =	vld [tilespmem:s13+$0x830]  }
0x32: {  	v14 =	vld [tilespmem:s13+$0x860]  }
0x33: {  	v15 =	vld [tilespmem:s13+$0x870]  }
0x34: {  	v16 =	vld [tilespmem:s13+$0x8A0]  }
0x35: {  	v55 =	vld [tilespmem:s13+$0x8B0];
	v6 =	vadd.f32 v10, v6;
	v9 =	vadd.f32 v12, v9  }
0x36: {  	v56 =	vld [tilespmem:s13+$0x8E0];
	v8 =	vadd.f32 v11, v8;
	v7 =	vadd.f32 v13, v7  }
0x37: {  	v57 =	vld [tilespmem:s13+$0x8F0];
	v4 =	vadd.f32 v4, v6;
	v5 =	vadd.f32 v5, v9  }
0x38: {  	v8 =	vadd.f32 v14, v8;
	v7 =	vadd.f32 v15, v7  }
0x39: {  	v1 =	vadd.f32 v1, v4;
	v3 =	vadd.f32 v3, v5  }
0x3a: {  	v58 =	vadd.f32 v16, v8;
	v59 =	vadd.f32 v55, v7  }
0x3b: {  	v0 =	vadd.f32 v0, v1;
	v60 =	vadd.f32 v2, v3  }
0x3c: {  	v61 =	vadd.f32 v56, v58;
	v62 =	vadd.f32 v57, v59;
	_ =	sdelay $0x1  }
0x3d: {  	v0 =	vadd.f32 v60, v0;
	v63 =	vadd.f32 v62, v61;
	_ =	sdelay $0x1  }
0x3e: {  	s12 =	sadd.s32 $0x1, s12;
	v0 =	vadd.f32 v63, v0  }
0x3f: {  	p0 =	sne.s32 s12, s7  }
.Ltmp1:
0x40: {  	[tilespmem:$0x8800] =	vst v0;
	(pc) =	sbr.rel @p0 .LBB2_1-.Ltmp1, $4  }
0x41: {  	[hbm4b:s6+s3] =	stream.linear.scatter [tilespmem:s11], [sflag:$0x2], $0x10, $0x38;
	[tilespmem:$0x8810] =	vst v63  }
0x42: {  	_ =	swait.ge [sflag:s8], $0x10  }
0x43: {  	[sflag:s8] =	ssyncset.done $0x0  }
0x44: {  	[sflag:s8] =	ssyncadd.s32 $0xFFFFFFF0  }
0x45: {  	_ =	sfence.sel $0x180000  }
0x46: {  	[bflag:$0x0] =	sbarrier.arrive $0xFFFF  }
0x47: {  	p0 =	sne.s32 s1, $0x0;
	_ =	strace $0x90000047  }
0x48: {  	s0 =	sadd.s32 @!p0 $0x100000, s0;
	[bflag:$0x2] =	sbarrier.arrive $0xFFFF  }
0x49: {  	[sflag:s0] =	ssyncadd.tile.s32 @!p0 $0x1;
	_ =	shalt  }
.Lfunc_end2:
_tile_overlayer_lowered:
.L_overlay_start_2:
0x4a: {  	(tag) =	ssettag $0x2  }
0x4b: {  	s0 =	rddreg [dreg:$0x0];
	s2 =	stileid.u32  }
0x4c: {  	s1 =	rddreg [dreg:$0x1];
	p0 =	sne.s32 s2, $0x0  }
0x4d: {  	s3 =	rddreg [dreg:$0x2];
	[bflag:$0x3] =	sbarrier.arrive $0xFFFF;
	s2 =	simm.s32 @!p0 $0x1C02  }
0x4e: {  	[timem:s3], [sflag:s2] =	dma.local @!p0 [hbm:s0], s1  }
0x4f: {  	s0 =	simm.s32 @!p0 $0x2  }
0x50: {  	_ =	swait.ge @!p0 [sflag:s0], s1  }
0x51: {  	s1 =	ssub.s32 @!p0 $0x0, s1;
	[sflag:s0] =	ssyncset.done @!p0 $0x0  }
0x52: {  	[sflag:s0] =	ssyncadd.s32 @!p0 s1  }
0x53: {  	[bflag:$0x3] =	sbarrier.arrive $0xFFFF  }
0x54: {  	_ =	shalt  }

</sc_bundles>
